<compile_context>
chip_gen: v7x
topology: tpu7x:2x2x1
jax: 0.10.2.dev20260603
libtpu: 0.0.44.dev20260713+nightly
codegen_flags: <defaults>
</compile_context>

<pallas_src>
import functools

import jax
import jax.numpy as jnp
from jax import lax
from jax.experimental import pallas as pl
from jax.experimental.pallas import tpu as pltpu
from jax.experimental.pallas import tpu_sc as plsc

VOCAB = 100000
D = 128
NC, NS = 2, 16
NW = NC * NS
B_TOTAL = 4096 * 200
IDX_PER_W = B_TOTAL // NW
CHUNK = 128
NBUF = 5
LAG = 3
N_REGIONS = IDX_PER_W // CHUNK
IDX_ROWS_PER_W = IDX_PER_W // CHUNK


def _emb_body(table_hbm, idx_hbm, out_hbm, idx_v, buf,
              sg0, sg1, sg2, sg3, sg4, ss0, ss1, ss2, ss3, ss4):
    wid = lax.axis_index("s") * NC + lax.axis_index("c")
    idx_base = wid * IDX_ROWS_PER_W
    out_base = wid * IDX_PER_W

    sem_g = (sg0, sg1, sg2, sg3, sg4)
    sem_s = (ss0, ss1, ss2, ss3, ss4)

    pltpu.sync_copy(idx_hbm.at[pl.ds(idx_base, IDX_ROWS_PER_W)], idx_v)

    def g_start(m, r):
        pltpu.async_copy(table_hbm.at[idx_v.at[m]], buf.at[r], sem_g[r])

    def g_wait(r):
        pltpu.make_async_copy(
            out_hbm.at[pl.ds(0, CHUNK)], buf.at[r], sem_g[r]
        ).wait()

    def s_start(m, r):
        pltpu.async_copy(
            buf.at[r],
            out_hbm.at[pl.ds(out_base + m * CHUNK, CHUNK)],
            sem_s[r],
        )

    def s_wait(m, r):
        pltpu.make_async_copy(
            buf.at[r],
            out_hbm.at[pl.ds(out_base + m * CHUNK, CHUNK)],
            sem_s[r],
        ).wait()

    g_start(0, 0)
    g_wait(0)
    for m in range(NBUF):
        s_start(m, m)

    def body(g, carry):
        for r in range(NBUF):
            m = NBUF * g + r
            s_wait(m - NBUF, r)
            s_start(m, r)
        return carry

    lax.fori_loop(1, N_REGIONS // NBUF, body, 0)

    for m in range(N_REGIONS - NBUF, N_REGIONS):
        s_wait(m, m % NBUF)


@functools.partial(jax.jit, donate_argnums=())
def _emb(table, idx2d):
    mesh = plsc.VectorSubcoreMesh(core_axis_name="c", subcore_axis_name="s")
    f = pl.kernel(
        _emb_body,
        out_type=jax.ShapeDtypeStruct((B_TOTAL, D), jnp.float32),
        mesh=mesh,
        scratch_types=[
            pltpu.VMEM((IDX_ROWS_PER_W, CHUNK), jnp.int32),
            pltpu.VMEM((NBUF, CHUNK, D), jnp.float32),
        ] + [pltpu.SemaphoreType.DMA] * (2 * NBUF),
    )
    return f(table, idx2d)


def kernel(x, weight):
    idx2d = x.reshape(-1).astype(jnp.int32).reshape(B_TOTAL // CHUNK, CHUNK)
    out = _emb(weight, idx2d)
    return out.reshape(x.shape[0], x.shape[1], D)

# --- scband reference (transcript-rebuilt; emitter-appended) ---
"""Pipeline reference for scband-embedding-25898652794905 (READ-ONLY COPY).

The authoritative reference and input builder live on the scoring server;
editing this copy changes nothing except your own understanding.
"""

import jax, jax.numpy as jnp
import numpy as np

VOCAB_SIZE = 100000
MODEL_DIM = 128

def setup_inputs(seed: int = 0) -> dict:
    key = jax.random.key(seed)
    k1, k2 = jax.random.split(key)
    x = jax.random.randint(k1, (4096, 200), 0, VOCAB_SIZE, dtype=jnp.int64) if jax.config.jax_enable_x64 else jax.random.randint(k1, (4096, 200), 0, VOCAB_SIZE, dtype=jnp.int32)
    # learned parameter: embedding table, initialized with normal(0,1) as in reset_parameter
    weight = jax.random.normal(k2, (VOCAB_SIZE, MODEL_DIM), dtype=jnp.float32)
    return {"x": x, "weight": weight}

def reference(x, weight):
    # F.embedding(x, weight) -> gather rows of weight by index
    return jnp.take(weight, x, axis=0)

if __name__ == "__main__":
    import jax
    _d = setup_inputs()
    print(jax.jit(kernel)(*tuple(_d.values())))

</pallas_src>

<mosaic_0001>
#map = affine_map<(d0, d1) -> (0, 0)>
module attributes {stable_mosaic.version = 14 : i64} {
  func.func @_emb_body(%arg0: i32, %arg1: i32, %arg2: memref<100000x128xf32, #tpu.memory_space<hbm>>, %arg3: memref<6400x128xi32, #tpu.memory_space<hbm>>, %arg4: memref<819200x128xf32, #tpu.memory_space<hbm>>, %arg5: memref<200x128xi32, #tpu.memory_space<vmem>>, %arg6: memref<5x128x128xf32, #tpu.memory_space<vmem>>, %arg7: memref<!tpu.dma_semaphore, #tpu.memory_space<semaphore_mem>>, %arg8: memref<!tpu.dma_semaphore, #tpu.memory_space<semaphore_mem>>, %arg9: memref<!tpu.dma_semaphore, #tpu.memory_space<semaphore_mem>>, %arg10: memref<!tpu.dma_semaphore, #tpu.memory_space<semaphore_mem>>, %arg11: memref<!tpu.dma_semaphore, #tpu.memory_space<semaphore_mem>>, %arg12: memref<!tpu.dma_semaphore, #tpu.memory_space<semaphore_mem>>, %arg13: memref<!tpu.dma_semaphore, #tpu.memory_space<semaphore_mem>>, %arg14: memref<!tpu.dma_semaphore, #tpu.memory_space<semaphore_mem>>, %arg15: memref<!tpu.dma_semaphore, #tpu.memory_space<semaphore_mem>>, %arg16: memref<!tpu.dma_semaphore, #tpu.memory_space<semaphore_mem>>) attributes {dimension_semantics = [#tpu.dimension_semantics<core_parallel>, #tpu.dimension_semantics<subcore_parallel>], iteration_bounds = array<i64: 2, 16>, scalar_prefetch = 0 : i64, scratch_operands = 12 : i64, tpu.core_type = #tpu.core_type<sc_vector_subcore>, window_params = [{transform_indices = #map}, {transform_indices = #map}, {transform_indices = #map}]} {
    %mul3A = arith.constant 2 : i32
    %mul3A_0 = arith.muli %arg1, %mul3A : i32
    %add3A = arith.addi %mul3A_0, %arg0 : i32
    %mul3A_1 = arith.constant 200 : i32
    %mul3A_2 = arith.muli %add3A, %mul3A_1 : i32
    %mul3A_3 = arith.constant 25600 : i32
    %mul3A_4 = arith.muli %add3A, %mul3A_3 : i32
    "tpu.region"() ({
      %run_scoped3A = tpu.sem_alloc : memref<!tpu.dma_semaphore, #tpu.memory_space<semaphore_mem>>
      %dma_start3A_185 = arith.constant 0 : i32
      %dma_start3A_186 = tpu.memref_slice %arg3[%mul3A_2, %dma_start3A_185] : memref<6400x128xi32, #tpu.memory_space<hbm>> -> memref<200x128xi32, #tpu.memory_space<hbm>>
      %dma_start3A_187 = arith.constant 0 : i32
      %dma_start3A_188 = tpu.memref_slice %arg3[%mul3A_2, %dma_start3A_187] : memref<6400x128xi32, #tpu.memory_space<hbm>> -> memref<200x128xi32, #tpu.memory_space<hbm>>
      tpu.enqueue_dma source(%dma_start3A_188 : memref<200x128xi32, #tpu.memory_space<hbm>>) target(%arg5 : memref<200x128xi32, #tpu.memory_space<vmem>>) target_semaphore(%run_scoped3A : memref<!tpu.dma_semaphore, #tpu.memory_space<semaphore_mem>>)
      %dma_wait3A_189 = arith.constant 0 : i32
      %dma_wait3A_190 = tpu.memref_slice %arg3[%mul3A_2, %dma_wait3A_189] : memref<6400x128xi32, #tpu.memory_space<hbm>> -> memref<200x128xi32, #tpu.memory_space<hbm>>
      %dma_wait3A_191 = arith.constant 0 : i32
      %dma_wait3A_192 = tpu.memref_slice %arg3[%mul3A_2, %dma_wait3A_191] : memref<6400x128xi32, #tpu.memory_space<hbm>> -> memref<200x128xi32, #tpu.memory_space<hbm>>
      tpu.wait_dma2 semaphore(%run_scoped3A : memref<!tpu.dma_semaphore, #tpu.memory_space<semaphore_mem>>) src(%dma_wait3A_192 : memref<200x128xi32, #tpu.memory_space<hbm>>) dst(%arg5 : memref<200x128xi32, #tpu.memory_space<vmem>>)
      tpu.yield
    }) : () -> ()
    %dma_start3A = arith.constant 0 : i32
    %dma_start3A_5 = arith.constant 0 : i32
    %dma_start3A_6 = arith.constant 0 : i32
    %dma_start3A_7 = arith.constant 0 : i32
    %dma_start3A_8 = tpu.memref_slice %arg6[%dma_start3A_5, %dma_start3A_6, %dma_start3A_7] : memref<5x128x128xf32, #tpu.memory_space<vmem>> -> memref<1x128x128xf32, #tpu.memory_space<vmem>>
    %dma_start3A_9 = tpu.memref_squeeze %dma_start3A_8 : memref<1x128x128xf32, #tpu.memory_space<vmem>> -> memref<128x128xf32, #tpu.memory_space<vmem>>
    %dma_start3A_10 = arith.constant 0 : i32
    %dma_start3A_11 = tpu.memref_slice %arg5[%dma_start3A, %dma_start3A_10] : memref<200x128xi32, #tpu.memory_space<vmem>> -> memref<1x128xi32, #tpu.memory_space<vmem>>
    %dma_start3A_12 = tpu.memref_squeeze %dma_start3A_11 : memref<1x128xi32, #tpu.memory_space<vmem>> -> memref<128xi32, #tpu.memory_space<vmem>>
    %dma_start3A_13 = arith.constant 0 : i32
    %dma_start3A_14 = arith.constant 0 : i32
    %dma_start3A_15 = tpu.memref_slice %arg2[%dma_start3A_13, %dma_start3A_14] : memref<100000x128xf32, #tpu.memory_space<hbm>> -> memref<100000x128xf32, #tpu.memory_space<hbm>>
    tpu.enqueue_indirect_dma source(%dma_start3A_15 : memref<100000x128xf32, #tpu.memory_space<hbm>>) target(%dma_start3A_9 : memref<128x128xf32, #tpu.memory_space<vmem>>) offsets(%dma_start3A_12 : memref<128xi32, #tpu.memory_space<vmem>>) semaphore(%arg7 : memref<!tpu.dma_semaphore, #tpu.memory_space<semaphore_mem>>)
    %dma_wait3A = arith.constant 0 : i32
    %dma_wait3A_16 = arith.constant 0 : i32
    %dma_wait3A_17 = arith.constant 0 : i32
    %dma_wait3A_18 = tpu.memref_slice %arg6[%dma_wait3A, %dma_wait3A_16, %dma_wait3A_17] : memref<5x128x128xf32, #tpu.memory_space<vmem>> -> memref<1x128x128xf32, #tpu.memory_space<vmem>>
    %dma_wait3A_19 = tpu.memref_squeeze %dma_wait3A_18 : memref<1x128x128xf32, #tpu.memory_space<vmem>> -> memref<128x128xf32, #tpu.memory_space<vmem>>
    %dma_wait3A_20 = arith.constant 0 : i32
    %dma_wait3A_21 = arith.constant 0 : i32
    %dma_wait3A_22 = tpu.memref_slice %arg4[%dma_wait3A_20, %dma_wait3A_21] : memref<819200x128xf32, #tpu.memory_space<hbm>> -> memref<128x128xf32, #tpu.memory_space<hbm>>
    %dma_wait3A_23 = arith.constant 0 : i32
    %dma_wait3A_24 = arith.constant 0 : i32
    %dma_wait3A_25 = tpu.memref_slice %arg6[%dma_wait3A, %dma_wait3A_23, %dma_wait3A_24] : memref<5x128x128xf32, #tpu.memory_space<vmem>> -> memref<1x128x128xf32, #tpu.memory_space<vmem>>
    %dma_wait3A_26 = tpu.memref_squeeze %dma_wait3A_25 : memref<1x128x128xf32, #tpu.memory_space<vmem>> -> memref<128x128xf32, #tpu.memory_space<vmem>>
    %dma_wait3A_27 = arith.constant 0 : i32
    %dma_wait3A_28 = arith.constant 0 : i32
    %dma_wait3A_29 = tpu.memref_slice %arg4[%dma_wait3A_27, %dma_wait3A_28] : memref<819200x128xf32, #tpu.memory_space<hbm>> -> memref<128x128xf32, #tpu.memory_space<hbm>>
    tpu.wait_dma2 semaphore(%arg7 : memref<!tpu.dma_semaphore, #tpu.memory_space<semaphore_mem>>) src(%dma_wait3A_29 : memref<128x128xf32, #tpu.memory_space<hbm>>) dst(%dma_wait3A_26 : memref<128x128xf32, #tpu.memory_space<vmem>>)
    %add3A_30 = arith.constant 0 : i32
    %add3A_31 = arith.addi %mul3A_4, %add3A_30 : i32
    %dma_start3A_32 = arith.constant 0 : i32
    %dma_start3A_33 = arith.constant 0 : i32
    %dma_start3A_34 = arith.constant 0 : i32
    %dma_start3A_35 = tpu.memref_slice %arg6[%dma_start3A_32, %dma_start3A_33, %dma_start3A_34] : memref<5x128x128xf32, #tpu.memory_space<vmem>> -> memref<1x128x128xf32, #tpu.memory_space<vmem>>
    %dma_start3A_36 = tpu.memref_squeeze %dma_start3A_35 : memref<1x128x128xf32, #tpu.memory_space<vmem>> -> memref<128x128xf32, #tpu.memory_space<vmem>>
    %dma_start3A_37 = arith.constant 0 : i32
    %dma_start3A_38 = tpu.memref_slice %arg4[%add3A_31, %dma_start3A_37] : memref<819200x128xf32, #tpu.memory_space<hbm>> -> memref<128x128xf32, #tpu.memory_space<hbm>>
    %dma_start3A_39 = arith.constant 0 : i32
    %dma_start3A_40 = tpu.memref_slice %arg4[%add3A_31, %dma_start3A_39] : memref<819200x128xf32, #tpu.memory_space<hbm>> -> memref<128x128xf32, #tpu.memory_space<hbm>>
    %dma_start3A_41 = arith.constant 0 : i32
    %dma_start3A_42 = arith.constant 0 : i32
    %dma_start3A_43 = tpu.memref_slice %arg6[%dma_start3A_32, %dma_start3A_41, %dma_start3A_42] : memref<5x128x128xf32, #tpu.memory_space<vmem>> -> memref<1x128x128xf32, #tpu.memory_space<vmem>>
    %dma_start3A_44 = tpu.memref_squeeze %dma_start3A_43 : memref<1x128x128xf32, #tpu.memory_space<vmem>> -> memref<128x128xf32, #tpu.memory_space<vmem>>
    tpu.enqueue_dma source(%dma_start3A_44 : memref<128x128xf32, #tpu.memory_space<vmem>>) target(%dma_start3A_40 : memref<128x128xf32, #tpu.memory_space<hbm>>) target_semaphore(%arg12 : memref<!tpu.dma_semaphore, #tpu.memory_space<semaphore_mem>>)
    %add3A_45 = arith.constant 128 : i32
    %add3A_46 = arith.addi %mul3A_4, %add3A_45 : i32
    %dma_start3A_47 = arith.constant 1 : i32
    %dma_start3A_48 = arith.constant 0 : i32
    %dma_start3A_49 = arith.constant 0 : i32
    %dma_start3A_50 = tpu.memref_slice %arg6[%dma_start3A_47, %dma_start3A_48, %dma_start3A_49] : memref<5x128x128xf32, #tpu.memory_space<vmem>> -> memref<1x128x128xf32, #tpu.memory_space<vmem>>
    %dma_start3A_51 = tpu.memref_squeeze %dma_start3A_50 : memref<1x128x128xf32, #tpu.memory_space<vmem>> -> memref<128x128xf32, #tpu.memory_space<vmem>>
    %dma_start3A_52 = arith.constant 0 : i32
    %dma_start3A_53 = tpu.memref_slice %arg4[%add3A_46, %dma_start3A_52] : memref<819200x128xf32, #tpu.memory_space<hbm>> -> memref<128x128xf32, #tpu.memory_space<hbm>>
    %dma_start3A_54 = arith.constant 0 : i32
    %dma_start3A_55 = tpu.memref_slice %arg4[%add3A_46, %dma_start3A_54] : memref<819200x128xf32, #tpu.memory_space<hbm>> -> memref<128x128xf32, #tpu.memory_space<hbm>>
    %dma_start3A_56 = arith.constant 0 : i32
    %dma_start3A_57 = arith.constant 0 : i32
    %dma_start3A_58 = tpu.memref_slice %arg6[%dma_start3A_47, %dma_start3A_56, %dma_start3A_57] : memref<5x128x128xf32, #tpu.memory_space<vmem>> -> memref<1x128x128xf32, #tpu.memory_space<vmem>>
    %dma_start3A_59 = tpu.memref_squeeze %dma_start3A_58 : memref<1x128x128xf32, #tpu.memory_space<vmem>> -> memref<128x128xf32, #tpu.memory_space<vmem>>
    tpu.enqueue_dma source(%dma_start3A_59 : memref<128x128xf32, #tpu.memory_space<vmem>>) target(%dma_start3A_55 : memref<128x128xf32, #tpu.memory_space<hbm>>) target_semaphore(%arg13 : memref<!tpu.dma_semaphore, #tpu.memory_space<semaphore_mem>>)
    %add3A_60 = arith.constant 256 : i32
    %add3A_61 = arith.addi %mul3A_4, %add3A_60 : i32
    %dma_start3A_62 = arith.constant 2 : i32
    %dma_start3A_63 = arith.constant 0 : i32
    %dma_start3A_64 = arith.constant 0 : i32
    %dma_start3A_65 = tpu.memref_slice %arg6[%dma_start3A_62, %dma_start3A_63, %dma_start3A_64] : memref<5x128x128xf32, #tpu.memory_space<vmem>> -> memref<1x128x128xf32, #tpu.memory_space<vmem>>
    %dma_start3A_66 = tpu.memref_squeeze %dma_start3A_65 : memref<1x128x128xf32, #tpu.memory_space<vmem>> -> memref<128x128xf32, #tpu.memory_space<vmem>>
    %dma_start3A_67 = arith.constant 0 : i32
    %dma_start3A_68 = tpu.memref_slice %arg4[%add3A_61, %dma_start3A_67] : memref<819200x128xf32, #tpu.memory_space<hbm>> -> memref<128x128xf32, #tpu.memory_space<hbm>>
    %dma_start3A_69 = arith.constant 0 : i32
    %dma_start3A_70 = tpu.memref_slice %arg4[%add3A_61, %dma_start3A_69] : memref<819200x128xf32, #tpu.memory_space<hbm>> -> memref<128x128xf32, #tpu.memory_space<hbm>>
    %dma_start3A_71 = arith.constant 0 : i32
    %dma_start3A_72 = arith.constant 0 : i32
    %dma_start3A_73 = tpu.memref_slice %arg6[%dma_start3A_62, %dma_start3A_71, %dma_start3A_72] : memref<5x128x128xf32, #tpu.memory_space<vmem>> -> memref<1x128x128xf32, #tpu.memory_space<vmem>>
    %dma_start3A_74 = tpu.memref_squeeze %dma_start3A_73 : memref<1x128x128xf32, #tpu.memory_space<vmem>> -> memref<128x128xf32, #tpu.memory_space<vmem>>
    tpu.enqueue_dma source(%dma_start3A_74 : memref<128x128xf32, #tpu.memory_space<vmem>>) target(%dma_start3A_70 : memref<128x128xf32, #tpu.memory_space<hbm>>) target_semaphore(%arg14 : memref<!tpu.dma_semaphore, #tpu.memory_space<semaphore_mem>>)
    %add3A_75 = arith.constant 384 : i32
    %add3A_76 = arith.addi %mul3A_4, %add3A_75 : i32
    %dma_start3A_77 = arith.constant 3 : i32
    %dma_start3A_78 = arith.constant 0 : i32
    %dma_start3A_79 = arith.constant 0 : i32
    %dma_start3A_80 = tpu.memref_slice %arg6[%dma_start3A_77, %dma_start3A_78, %dma_start3A_79] : memref<5x128x128xf32, #tpu.memory_space<vmem>> -> memref<1x128x128xf32, #tpu.memory_space<vmem>>
    %dma_start3A_81 = tpu.memref_squeeze %dma_start3A_80 : memref<1x128x128xf32, #tpu.memory_space<vmem>> -> memref<128x128xf32, #tpu.memory_space<vmem>>
    %dma_start3A_82 = arith.constant 0 : i32
    %dma_start3A_83 = tpu.memref_slice %arg4[%add3A_76, %dma_start3A_82] : memref<819200x128xf32, #tpu.memory_space<hbm>> -> memref<128x128xf32, #tpu.memory_space<hbm>>
    %dma_start3A_84 = arith.constant 0 : i32
    %dma_start3A_85 = tpu.memref_slice %arg4[%add3A_76, %dma_start3A_84] : memref<819200x128xf32, #tpu.memory_space<hbm>> -> memref<128x128xf32, #tpu.memory_space<hbm>>
    %dma_start3A_86 = arith.constant 0 : i32
    %dma_start3A_87 = arith.constant 0 : i32
    %dma_start3A_88 = tpu.memref_slice %arg6[%dma_start3A_77, %dma_start3A_86, %dma_start3A_87] : memref<5x128x128xf32, #tpu.memory_space<vmem>> -> memref<1x128x128xf32, #tpu.memory_space<vmem>>
    %dma_start3A_89 = tpu.memref_squeeze %dma_start3A_88 : memref<1x128x128xf32, #tpu.memory_space<vmem>> -> memref<128x128xf32, #tpu.memory_space<vmem>>
    tpu.enqueue_dma source(%dma_start3A_89 : memref<128x128xf32, #tpu.memory_space<vmem>>) target(%dma_start3A_85 : memref<128x128xf32, #tpu.memory_space<hbm>>) target_semaphore(%arg15 : memref<!tpu.dma_semaphore, #tpu.memory_space<semaphore_mem>>)
    %add3A_90 = arith.constant 512 : i32
    %add3A_91 = arith.addi %mul3A_4, %add3A_90 : i32
    %dma_start3A_92 = arith.constant 4 : i32
    %dma_start3A_93 = arith.constant 0 : i32
    %dma_start3A_94 = arith.constant 0 : i32
    %dma_start3A_95 = tpu.memref_slice %arg6[%dma_start3A_92, %dma_start3A_93, %dma_start3A_94] : memref<5x128x128xf32, #tpu.memory_space<vmem>> -> memref<1x128x128xf32, #tpu.memory_space<vmem>>
    %dma_start3A_96 = tpu.memref_squeeze %dma_start3A_95 : memref<1x128x128xf32, #tpu.memory_space<vmem>> -> memref<128x128xf32, #tpu.memory_space<vmem>>
    %dma_start3A_97 = arith.constant 0 : i32
    %dma_start3A_98 = tpu.memref_slice %arg4[%add3A_91, %dma_start3A_97] : memref<819200x128xf32, #tpu.memory_space<hbm>> -> memref<128x128xf32, #tpu.memory_space<hbm>>
    %dma_start3A_99 = arith.constant 0 : i32
    %dma_start3A_100 = tpu.memref_slice %arg4[%add3A_91, %dma_start3A_99] : memref<819200x128xf32, #tpu.memory_space<hbm>> -> memref<128x128xf32, #tpu.memory_space<hbm>>
    %dma_start3A_101 = arith.constant 0 : i32
    %dma_start3A_102 = arith.constant 0 : i32
    %dma_start3A_103 = tpu.memref_slice %arg6[%dma_start3A_92, %dma_start3A_101, %dma_start3A_102] : memref<5x128x128xf32, #tpu.memory_space<vmem>> -> memref<1x128x128xf32, #tpu.memory_space<vmem>>
    %dma_start3A_104 = tpu.memref_squeeze %dma_start3A_103 : memref<1x128x128xf32, #tpu.memory_space<vmem>> -> memref<128x128xf32, #tpu.memory_space<vmem>>
    tpu.enqueue_dma source(%dma_start3A_104 : memref<128x128xf32, #tpu.memory_space<vmem>>) target(%dma_start3A_100 : memref<128x128xf32, #tpu.memory_space<hbm>>) target_semaphore(%arg16 : memref<!tpu.dma_semaphore, #tpu.memory_space<semaphore_mem>>)
    %scan3A = arith.constant 0 : i32
    %scan3A_105 = arith.constant 1 : i32
    %scan3A_106 = arith.constant 39 : i32
    %scan3A_107 = arith.addi %scan3A_105, %scan3A_106 : i32
    %scan3A_108 = arith.constant 1 : i32
    scf.for %scan3A_185 = %scan3A_105 to %scan3A_107 step %scan3A_108  : i32 {
      %mul3A_186 = arith.constant 5 : i32
      %mul3A_187 = arith.muli %mul3A_186, %scan3A_185 : i32
      %add3A_188 = arith.constant 0 : i32
      %add3A_189 = arith.addi %mul3A_187, %add3A_188 : i32
      %sub3A = arith.constant 5 : i32
      %sub3A_190 = arith.subi %add3A_189, %sub3A : i32
      %mul3A_191 = arith.constant 128 : i32
      %mul3A_192 = arith.muli %sub3A_190, %mul3A_191 : i32
      %add3A_193 = arith.addi %mul3A_4, %mul3A_192 : i32
      %dma_wait3A_194 = arith.constant 0 : i32
      %dma_wait3A_195 = arith.constant 0 : i32
      %dma_wait3A_196 = arith.constant 0 : i32
      %dma_wait3A_197 = tpu.memref_slice %arg6[%dma_wait3A_194, %dma_wait3A_195, %dma_wait3A_196] : memref<5x128x128xf32, #tpu.memory_space<vmem>> -> memref<1x128x128xf32, #tpu.memory_space<vmem>>
      %dma_wait3A_198 = tpu.memref_squeeze %dma_wait3A_197 : memref<1x128x128xf32, #tpu.memory_space<vmem>> -> memref<128x128xf32, #tpu.memory_space<vmem>>
      %dma_wait3A_199 = arith.constant 0 : i32
      %dma_wait3A_200 = tpu.memref_slice %arg4[%add3A_193, %dma_wait3A_199] : memref<819200x128xf32, #tpu.memory_space<hbm>> -> memref<128x128xf32, #tpu.memory_space<hbm>>
      %dma_wait3A_201 = arith.constant 0 : i32
      %dma_wait3A_202 = tpu.memref_slice %arg4[%add3A_193, %dma_wait3A_201] : memref<819200x128xf32, #tpu.memory_space<hbm>> -> memref<128x128xf32, #tpu.memory_space<hbm>>
      %dma_wait3A_203 = arith.constant 0 : i32
      %dma_wait3A_204 = arith.constant 0 : i32
      %dma_wait3A_205 = tpu.memref_slice %arg6[%dma_wait3A_194, %dma_wait3A_203, %dma_wait3A_204] : memref<5x128x128xf32, #tpu.memory_space<vmem>> -> memref<1x128x128xf32, #tpu.memory_space<vmem>>
      %dma_wait3A_206 = tpu.memref_squeeze %dma_wait3A_205 : memref<1x128x128xf32, #tpu.memory_space<vmem>> -> memref<128x128xf32, #tpu.memory_space<vmem>>
      tpu.wait_dma2 semaphore(%arg12 : memref<!tpu.dma_semaphore, #tpu.memory_space<semaphore_mem>>) src(%dma_wait3A_206 : memref<128x128xf32, #tpu.memory_space<vmem>>) dst(%dma_wait3A_202 : memref<128x128xf32, #tpu.memory_space<hbm>>)
      %mul3A_207 = arith.constant 128 : i32
      %mul3A_208 = arith.muli %add3A_189, %mul3A_207 : i32
      %add3A_209 = arith.addi %mul3A_4, %mul3A_208 : i32
      %dma_start3A_210 = arith.constant 0 : i32
      %dma_start3A_211 = arith.constant 0 : i32
      %dma_start3A_212 = arith.constant 0 : i32
      %dma_start3A_213 = tpu.memref_slice %arg6[%dma_start3A_210, %dma_start3A_211, %dma_start3A_212] : memref<5x128x128xf32, #tpu.memory_space<vmem>> -> memref<1x128x128xf32, #tpu.memory_space<vmem>>
      %dma_start3A_214 = tpu.memref_squeeze %dma_start3A_213 : memref<1x128x128xf32, #tpu.memory_space<vmem>> -> memref<128x128xf32, #tpu.memory_space<vmem>>
      %dma_start3A_215 = arith.constant 0 : i32
      %dma_start3A_216 = tpu.memref_slice %arg4[%add3A_209, %dma_start3A_215] : memref<819200x128xf32, #tpu.memory_space<hbm>> -> memref<128x128xf32, #tpu.memory_space<hbm>>
      %dma_start3A_217 = arith.constant 0 : i32
      %dma_start3A_218 = tpu.memref_slice %arg4[%add3A_209, %dma_start3A_217] : memref<819200x128xf32, #tpu.memory_space<hbm>> -> memref<128x128xf32, #tpu.memory_space<hbm>>
      %dma_start3A_219 = arith.constant 0 : i32
      %dma_start3A_220 = arith.constant 0 : i32
      %dma_start3A_221 = tpu.memref_slice %arg6[%dma_start3A_210, %dma_start3A_219, %dma_start3A_220] : memref<5x128x128xf32, #tpu.memory_space<vmem>> -> memref<1x128x128xf32, #tpu.memory_space<vmem>>
      %dma_start3A_222 = tpu.memref_squeeze %dma_start3A_221 : memref<1x128x128xf32, #tpu.memory_space<vmem>> -> memref<128x128xf32, #tpu.memory_space<vmem>>
      tpu.enqueue_dma source(%dma_start3A_222 : memref<128x128xf32, #tpu.memory_space<vmem>>) target(%dma_start3A_218 : memref<128x128xf32, #tpu.memory_space<hbm>>) target_semaphore(%arg12 : memref<!tpu.dma_semaphore, #tpu.memory_space<semaphore_mem>>)
      %mul3A_223 = arith.constant 5 : i32
      %mul3A_224 = arith.muli %mul3A_223, %scan3A_185 : i32
      %add3A_225 = arith.constant 1 : i32
      %add3A_226 = arith.addi %mul3A_224, %add3A_225 : i32
      %sub3A_227 = arith.constant 5 : i32
      %sub3A_228 = arith.subi %add3A_226, %sub3A_227 : i32
      %mul3A_229 = arith.constant 128 : i32
      %mul3A_230 = arith.muli %sub3A_228, %mul3A_229 : i32
      %add3A_231 = arith.addi %mul3A_4, %mul3A_230 : i32
      %dma_wait3A_232 = arith.constant 1 : i32
      %dma_wait3A_233 = arith.constant 0 : i32
      %dma_wait3A_234 = arith.constant 0 : i32
      %dma_wait3A_235 = tpu.memref_slice %arg6[%dma_wait3A_232, %dma_wait3A_233, %dma_wait3A_234] : memref<5x128x128xf32, #tpu.memory_space<vmem>> -> memref<1x128x128xf32, #tpu.memory_space<vmem>>
      %dma_wait3A_236 = tpu.memref_squeeze %dma_wait3A_235 : memref<1x128x128xf32, #tpu.memory_space<vmem>> -> memref<128x128xf32, #tpu.memory_space<vmem>>
      %dma_wait3A_237 = arith.constant 0 : i32
      %dma_wait3A_238 = tpu.memref_slice %arg4[%add3A_231, %dma_wait3A_237] : memref<819200x128xf32, #tpu.memory_space<hbm>> -> memref<128x128xf32, #tpu.memory_space<hbm>>
      %dma_wait3A_239 = arith.constant 0 : i32
      %dma_wait3A_240 = tpu.memref_slice %arg4[%add3A_231, %dma_wait3A_239] : memref<819200x128xf32, #tpu.memory_space<hbm>> -> memref<128x128xf32, #tpu.memory_space<hbm>>
      %dma_wait3A_241 = arith.constant 0 : i32
      %dma_wait3A_242 = arith.constant 0 : i32
      %dma_wait3A_243 = tpu.memref_slice %arg6[%dma_wait3A_232, %dma_wait3A_241, %dma_wait3A_242] : memref<5x128x128xf32, #tpu.memory_space<vmem>> -> memref<1x128x128xf32, #tpu.memory_space<vmem>>
      %dma_wait3A_244 = tpu.memref_squeeze %dma_wait3A_243 : memref<1x128x128xf32, #tpu.memory_space<vmem>> -> memref<128x128xf32, #tpu.memory_space<vmem>>
      tpu.wait_dma2 semaphore(%arg13 : memref<!tpu.dma_semaphore, #tpu.memory_space<semaphore_mem>>) src(%dma_wait3A_244 : memref<128x128xf32, #tpu.memory_space<vmem>>) dst(%dma_wait3A_240 : memref<128x128xf32, #tpu.memory_space<hbm>>)
      %mul3A_245 = arith.constant 128 : i32
      %mul3A_246 = arith.muli %add3A_226, %mul3A_245 : i32
      %add3A_247 = arith.addi %mul3A_4, %mul3A_246 : i32
      %dma_start3A_248 = arith.constant 1 : i32
      %dma_start3A_249 = arith.constant 0 : i32
      %dma_start3A_250 = arith.constant 0 : i32
      %dma_start3A_251 = tpu.memref_slice %arg6[%dma_start3A_248, %dma_start3A_249, %dma_start3A_250] : memref<5x128x128xf32, #tpu.memory_space<vmem>> -> memref<1x128x128xf32, #tpu.memory_space<vmem>>
      %dma_start3A_252 = tpu.memref_squeeze %dma_start3A_251 : memref<1x128x128xf32, #tpu.memory_space<vmem>> -> memref<128x128xf32, #tpu.memory_space<vmem>>
      %dma_start3A_253 = arith.constant 0 : i32
      %dma_start3A_254 = tpu.memref_slice %arg4[%add3A_247, %dma_start3A_253] : memref<819200x128xf32, #tpu.memory_space<hbm>> -> memref<128x128xf32, #tpu.memory_space<hbm>>
      %dma_start3A_255 = arith.constant 0 : i32
      %dma_start3A_256 = tpu.memref_slice %arg4[%add3A_247, %dma_start3A_255] : memref<819200x128xf32, #tpu.memory_space<hbm>> -> memref<128x128xf32, #tpu.memory_space<hbm>>
      %dma_start3A_257 = arith.constant 0 : i32
      %dma_start3A_258 = arith.constant 0 : i32
      %dma_start3A_259 = tpu.memref_slice %arg6[%dma_start3A_248, %dma_start3A_257, %dma_start3A_258] : memref<5x128x128xf32, #tpu.memory_space<vmem>> -> memref<1x128x128xf32, #tpu.memory_space<vmem>>
      %dma_start3A_260 = tpu.memref_squeeze %dma_start3A_259 : memref<1x128x128xf32, #tpu.memory_space<vmem>> -> memref<128x128xf32, #tpu.memory_space<vmem>>
      tpu.enqueue_dma source(%dma_start3A_260 : memref<128x128xf32, #tpu.memory_space<vmem>>) target(%dma_start3A_256 : memref<128x128xf32, #tpu.memory_space<hbm>>) target_semaphore(%arg13 : memref<!tpu.dma_semaphore, #tpu.memory_space<semaphore_mem>>)
      %mul3A_261 = arith.constant 5 : i32
      %mul3A_262 = arith.muli %mul3A_261, %scan3A_185 : i32
      %add3A_263 = arith.constant 2 : i32
      %add3A_264 = arith.addi %mul3A_262, %add3A_263 : i32
      %sub3A_265 = arith.constant 5 : i32
      %sub3A_266 = arith.subi %add3A_264, %sub3A_265 : i32
      %mul3A_267 = arith.constant 128 : i32
      %mul3A_268 = arith.muli %sub3A_266, %mul3A_267 : i32
      %add3A_269 = arith.addi %mul3A_4, %mul3A_268 : i32
      %dma_wait3A_270 = arith.constant 2 : i32
      %dma_wait3A_271 = arith.constant 0 : i32
      %dma_wait3A_272 = arith.constant 0 : i32
      %dma_wait3A_273 = tpu.memref_slice %arg6[%dma_wait3A_270, %dma_wait3A_271, %dma_wait3A_272] : memref<5x128x128xf32, #tpu.memory_space<vmem>> -> memref<1x128x128xf32, #tpu.memory_space<vmem>>
      %dma_wait3A_274 = tpu.memref_squeeze %dma_wait3A_273 : memref<1x128x128xf32, #tpu.memory_space<vmem>> -> memref<128x128xf32, #tpu.memory_space<vmem>>
      %dma_wait3A_275 = arith.constant 0 : i32
      %dma_wait3A_276 = tpu.memref_slice %arg4[%add3A_269, %dma_wait3A_275] : memref<819200x128xf32, #tpu.memory_space<hbm>> -> memref<128x128xf32, #tpu.memory_space<hbm>>
      %dma_wait3A_277 = arith.constant 0 : i32
      %dma_wait3A_278 = tpu.memref_slice %arg4[%add3A_269, %dma_wait3A_277] : memref<819200x128xf32, #tpu.memory_space<hbm>> -> memref<128x128xf32, #tpu.memory_space<hbm>>
      %dma_wait3A_279 = arith.constant 0 : i32
      %dma_wait3A_280 = arith.constant 0 : i32
      %dma_wait3A_281 = tpu.memref_slice %arg6[%dma_wait3A_270, %dma_wait3A_279, %dma_wait3A_280] : memref<5x128x128xf32, #tpu.memory_space<vmem>> -> memref<1x128x128xf32, #tpu.memory_space<vmem>>
      %dma_wait3A_282 = tpu.memref_squeeze %dma_wait3A_281 : memref<1x128x128xf32, #tpu.memory_space<vmem>> -> memref<128x128xf32, #tpu.memory_space<vmem>>
      tpu.wait_dma2 semaphore(%arg14 : memref<!tpu.dma_semaphore, #tpu.memory_space<semaphore_mem>>) src(%dma_wait3A_282 : memref<128x128xf32, #tpu.memory_space<vmem>>) dst(%dma_wait3A_278 : memref<128x128xf32, #tpu.memory_space<hbm>>)
      %mul3A_283 = arith.constant 128 : i32
      %mul3A_284 = arith.muli %add3A_264, %mul3A_283 : i32
      %add3A_285 = arith.addi %mul3A_4, %mul3A_284 : i32
      %dma_start3A_286 = arith.constant 2 : i32
      %dma_start3A_287 = arith.constant 0 : i32
      %dma_start3A_288 = arith.constant 0 : i32
      %dma_start3A_289 = tpu.memref_slice %arg6[%dma_start3A_286, %dma_start3A_287, %dma_start3A_288] : memref<5x128x128xf32, #tpu.memory_space<vmem>> -> memref<1x128x128xf32, #tpu.memory_space<vmem>>
      %dma_start3A_290 = tpu.memref_squeeze %dma_start3A_289 : memref<1x128x128xf32, #tpu.memory_space<vmem>> -> memref<128x128xf32, #tpu.memory_space<vmem>>
      %dma_start3A_291 = arith.constant 0 : i32
      %dma_start3A_292 = tpu.memref_slice %arg4[%add3A_285, %dma_start3A_291] : memref<819200x128xf32, #tpu.memory_space<hbm>> -> memref<128x128xf32, #tpu.memory_space<hbm>>
      %dma_start3A_293 = arith.constant 0 : i32
      %dma_start3A_294 = tpu.memref_slice %arg4[%add3A_285, %dma_start3A_293] : memref<819200x128xf32, #tpu.memory_space<hbm>> -> memref<128x128xf32, #tpu.memory_space<hbm>>
      %dma_start3A_295 = arith.constant 0 : i32
      %dma_start3A_296 = arith.constant 0 : i32
      %dma_start3A_297 = tpu.memref_slice %arg6[%dma_start3A_286, %dma_start3A_295, %dma_start3A_296] : memref<5x128x128xf32, #tpu.memory_space<vmem>> -> memref<1x128x128xf32, #tpu.memory_space<vmem>>
      %dma_start3A_298 = tpu.memref_squeeze %dma_start3A_297 : memref<1x128x128xf32, #tpu.memory_space<vmem>> -> memref<128x128xf32, #tpu.memory_space<vmem>>
      tpu.enqueue_dma source(%dma_start3A_298 : memref<128x128xf32, #tpu.memory_space<vmem>>) target(%dma_start3A_294 : memref<128x128xf32, #tpu.memory_space<hbm>>) target_semaphore(%arg14 : memref<!tpu.dma_semaphore, #tpu.memory_space<semaphore_mem>>)
      %mul3A_299 = arith.constant 5 : i32
      %mul3A_300 = arith.muli %mul3A_299, %scan3A_185 : i32
      %add3A_301 = arith.constant 3 : i32
      %add3A_302 = arith.addi %mul3A_300, %add3A_301 : i32
      %sub3A_303 = arith.constant 5 : i32
      %sub3A_304 = arith.subi %add3A_302, %sub3A_303 : i32
      %mul3A_305 = arith.constant 128 : i32
      %mul3A_306 = arith.muli %sub3A_304, %mul3A_305 : i32
      %add3A_307 = arith.addi %mul3A_4, %mul3A_306 : i32
      %dma_wait3A_308 = arith.constant 3 : i32
      %dma_wait3A_309 = arith.constant 0 : i32
      %dma_wait3A_310 = arith.constant 0 : i32
      %dma_wait3A_311 = tpu.memref_slice %arg6[%dma_wait3A_308, %dma_wait3A_309, %dma_wait3A_310] : memref<5x128x128xf32, #tpu.memory_space<vmem>> -> memref<1x128x128xf32, #tpu.memory_space<vmem>>
      %dma_wait3A_312 = tpu.memref_squeeze %dma_wait3A_311 : memref<1x128x128xf32, #tpu.memory_space<vmem>> -> memref<128x128xf32, #tpu.memory_space<vmem>>
      %dma_wait3A_313 = arith.constant 0 : i32
      %dma_wait3A_314 = tpu.memref_slice %arg4[%add3A_307, %dma_wait3A_313] : memref<819200x128xf32, #tpu.memory_space<hbm>> -> memref<128x128xf32, #tpu.memory_space<hbm>>
      %dma_wait3A_315 = arith.constant 0 : i32
      %dma_wait3A_316 = tpu.memref_slice %arg4[%add3A_307, %dma_wait3A_315] : memref<819200x128xf32, #tpu.memory_space<hbm>> -> memref<128x128xf32, #tpu.memory_space<hbm>>
      %dma_wait3A_317 = arith.constant 0 : i32
      %dma_wait3A_318 = arith.constant 0 : i32
      %dma_wait3A_319 = tpu.memref_slice %arg6[%dma_wait3A_308, %dma_wait3A_317, %dma_wait3A_318] : memref<5x128x128xf32, #tpu.memory_space<vmem>> -> memref<1x128x128xf32, #tpu.memory_space<vmem>>
      %dma_wait3A_320 = tpu.memref_squeeze %dma_wait3A_319 : memref<1x128x128xf32, #tpu.memory_space<vmem>> -> memref<128x128xf32, #tpu.memory_space<vmem>>
      tpu.wait_dma2 semaphore(%arg15 : memref<!tpu.dma_semaphore, #tpu.memory_space<semaphore_mem>>) src(%dma_wait3A_320 : memref<128x128xf32, #tpu.memory_space<vmem>>) dst(%dma_wait3A_316 : memref<128x128xf32, #tpu.memory_space<hbm>>)
      %mul3A_321 = arith.constant 128 : i32
      %mul3A_322 = arith.muli %add3A_302, %mul3A_321 : i32
      %add3A_323 = arith.addi %mul3A_4, %mul3A_322 : i32
      %dma_start3A_324 = arith.constant 3 : i32
      %dma_start3A_325 = arith.constant 0 : i32
      %dma_start3A_326 = arith.constant 0 : i32
      %dma_start3A_327 = tpu.memref_slice %arg6[%dma_start3A_324, %dma_start3A_325, %dma_start3A_326] : memref<5x128x128xf32, #tpu.memory_space<vmem>> -> memref<1x128x128xf32, #tpu.memory_space<vmem>>
      %dma_start3A_328 = tpu.memref_squeeze %dma_start3A_327 : memref<1x128x128xf32, #tpu.memory_space<vmem>> -> memref<128x128xf32, #tpu.memory_space<vmem>>
      %dma_start3A_329 = arith.constant 0 : i32
      %dma_start3A_330 = tpu.memref_slice %arg4[%add3A_323, %dma_start3A_329] : memref<819200x128xf32, #tpu.memory_space<hbm>> -> memref<128x128xf32, #tpu.memory_space<hbm>>
      %dma_start3A_331 = arith.constant 0 : i32
      %dma_start3A_332 = tpu.memref_slice %arg4[%add3A_323, %dma_start3A_331] : memref<819200x128xf32, #tpu.memory_space<hbm>> -> memref<128x128xf32, #tpu.memory_space<hbm>>
      %dma_start3A_333 = arith.constant 0 : i32
      %dma_start3A_334 = arith.constant 0 : i32
      %dma_start3A_335 = tpu.memref_slice %arg6[%dma_start3A_324, %dma_start3A_333, %dma_start3A_334] : memref<5x128x128xf32, #tpu.memory_space<vmem>> -> memref<1x128x128xf32, #tpu.memory_space<vmem>>
      %dma_start3A_336 = tpu.memref_squeeze %dma_start3A_335 : memref<1x128x128xf32, #tpu.memory_space<vmem>> -> memref<128x128xf32, #tpu.memory_space<vmem>>
      tpu.enqueue_dma source(%dma_start3A_336 : memref<128x128xf32, #tpu.memory_space<vmem>>) target(%dma_start3A_332 : memref<128x128xf32, #tpu.memory_space<hbm>>) target_semaphore(%arg15 : memref<!tpu.dma_semaphore, #tpu.memory_space<semaphore_mem>>)
      %mul3A_337 = arith.constant 5 : i32
      %mul3A_338 = arith.muli %mul3A_337, %scan3A_185 : i32
      %add3A_339 = arith.constant 4 : i32
      %add3A_340 = arith.addi %mul3A_338, %add3A_339 : i32
      %sub3A_341 = arith.constant 5 : i32
      %sub3A_342 = arith.subi %add3A_340, %sub3A_341 : i32
      %mul3A_343 = arith.constant 128 : i32
      %mul3A_344 = arith.muli %sub3A_342, %mul3A_343 : i32
      %add3A_345 = arith.addi %mul3A_4, %mul3A_344 : i32
      %dma_wait3A_346 = arith.constant 4 : i32
      %dma_wait3A_347 = arith.constant 0 : i32
      %dma_wait3A_348 = arith.constant 0 : i32
      %dma_wait3A_349 = tpu.memref_slice %arg6[%dma_wait3A_346, %dma_wait3A_347, %dma_wait3A_348] : memref<5x128x128xf32, #tpu.memory_space<vmem>> -> memref<1x128x128xf32, #tpu.memory_space<vmem>>
      %dma_wait3A_350 = tpu.memref_squeeze %dma_wait3A_349 : memref<1x128x128xf32, #tpu.memory_space<vmem>> -> memref<128x128xf32, #tpu.memory_space<vmem>>
      %dma_wait3A_351 = arith.constant 0 : i32
      %dma_wait3A_352 = tpu.memref_slice %arg4[%add3A_345, %dma_wait3A_351] : memref<819200x128xf32, #tpu.memory_space<hbm>> -> memref<128x128xf32, #tpu.memory_space<hbm>>
      %dma_wait3A_353 = arith.constant 0 : i32
      %dma_wait3A_354 = tpu.memref_slice %arg4[%add3A_345, %dma_wait3A_353] : memref<819200x128xf32, #tpu.memory_space<hbm>> -> memref<128x128xf32, #tpu.memory_space<hbm>>
      %dma_wait3A_355 = arith.constant 0 : i32
      %dma_wait3A_356 = arith.constant 0 : i32
      %dma_wait3A_357 = tpu.memref_slice %arg6[%dma_wait3A_346, %dma_wait3A_355, %dma_wait3A_356] : memref<5x128x128xf32, #tpu.memory_space<vmem>> -> memref<1x128x128xf32, #tpu.memory_space<vmem>>
      %dma_wait3A_358 = tpu.memref_squeeze %dma_wait3A_357 : memref<1x128x128xf32, #tpu.memory_space<vmem>> -> memref<128x128xf32, #tpu.memory_space<vmem>>
      tpu.wait_dma2 semaphore(%arg16 : memref<!tpu.dma_semaphore, #tpu.memory_space<semaphore_mem>>) src(%dma_wait3A_358 : memref<128x128xf32, #tpu.memory_space<vmem>>) dst(%dma_wait3A_354 : memref<128x128xf32, #tpu.memory_space<hbm>>)
      %mul3A_359 = arith.constant 128 : i32
      %mul3A_360 = arith.muli %add3A_340, %mul3A_359 : i32
      %add3A_361 = arith.addi %mul3A_4, %mul3A_360 : i32
      %dma_start3A_362 = arith.constant 4 : i32
      %dma_start3A_363 = arith.constant 0 : i32
      %dma_start3A_364 = arith.constant 0 : i32
      %dma_start3A_365 = tpu.memref_slice %arg6[%dma_start3A_362, %dma_start3A_363, %dma_start3A_364] : memref<5x128x128xf32, #tpu.memory_space<vmem>> -> memref<1x128x128xf32, #tpu.memory_space<vmem>>
      %dma_start3A_366 = tpu.memref_squeeze %dma_start3A_365 : memref<1x128x128xf32, #tpu.memory_space<vmem>> -> memref<128x128xf32, #tpu.memory_space<vmem>>
      %dma_start3A_367 = arith.constant 0 : i32
      %dma_start3A_368 = tpu.memref_slice %arg4[%add3A_361, %dma_start3A_367] : memref<819200x128xf32, #tpu.memory_space<hbm>> -> memref<128x128xf32, #tpu.memory_space<hbm>>
      %dma_start3A_369 = arith.constant 0 : i32
      %dma_start3A_370 = tpu.memref_slice %arg4[%add3A_361, %dma_start3A_369] : memref<819200x128xf32, #tpu.memory_space<hbm>> -> memref<128x128xf32, #tpu.memory_space<hbm>>
      %dma_start3A_371 = arith.constant 0 : i32
      %dma_start3A_372 = arith.constant 0 : i32
      %dma_start3A_373 = tpu.memref_slice %arg6[%dma_start3A_362, %dma_start3A_371, %dma_start3A_372] : memref<5x128x128xf32, #tpu.memory_space<vmem>> -> memref<1x128x128xf32, #tpu.memory_space<vmem>>
      %dma_start3A_374 = tpu.memref_squeeze %dma_start3A_373 : memref<1x128x128xf32, #tpu.memory_space<vmem>> -> memref<128x128xf32, #tpu.memory_space<vmem>>
      tpu.enqueue_dma source(%dma_start3A_374 : memref<128x128xf32, #tpu.memory_space<vmem>>) target(%dma_start3A_370 : memref<128x128xf32, #tpu.memory_space<hbm>>) target_semaphore(%arg16 : memref<!tpu.dma_semaphore, #tpu.memory_space<semaphore_mem>>)
    }
    %scan3A_109 = arith.constant 39 : i32
    %add3A_110 = arith.constant 24960 : i32
    %add3A_111 = arith.addi %mul3A_4, %add3A_110 : i32
    %dma_wait3A_112 = arith.constant 0 : i32
    %dma_wait3A_113 = arith.constant 0 : i32
    %dma_wait3A_114 = arith.constant 0 : i32
    %dma_wait3A_115 = tpu.memref_slice %arg6[%dma_wait3A_112, %dma_wait3A_113, %dma_wait3A_114] : memref<5x128x128xf32, #tpu.memory_space<vmem>> -> memref<1x128x128xf32, #tpu.memory_space<vmem>>
    %dma_wait3A_116 = tpu.memref_squeeze %dma_wait3A_115 : memref<1x128x128xf32, #tpu.memory_space<vmem>> -> memref<128x128xf32, #tpu.memory_space<vmem>>
    %dma_wait3A_117 = arith.constant 0 : i32
    %dma_wait3A_118 = tpu.memref_slice %arg4[%add3A_111, %dma_wait3A_117] : memref<819200x128xf32, #tpu.memory_space<hbm>> -> memref<128x128xf32, #tpu.memory_space<hbm>>
    %dma_wait3A_119 = arith.constant 0 : i32
    %dma_wait3A_120 = tpu.memref_slice %arg4[%add3A_111, %dma_wait3A_119] : memref<819200x128xf32, #tpu.memory_space<hbm>> -> memref<128x128xf32, #tpu.memory_space<hbm>>
    %dma_wait3A_121 = arith.constant 0 : i32
    %dma_wait3A_122 = arith.constant 0 : i32
    %dma_wait3A_123 = tpu.memref_slice %arg6[%dma_wait3A_112, %dma_wait3A_121, %dma_wait3A_122] : memref<5x128x128xf32, #tpu.memory_space<vmem>> -> memref<1x128x128xf32, #tpu.memory_space<vmem>>
    %dma_wait3A_124 = tpu.memref_squeeze %dma_wait3A_123 : memref<1x128x128xf32, #tpu.memory_space<vmem>> -> memref<128x128xf32, #tpu.memory_space<vmem>>
    tpu.wait_dma2 semaphore(%arg12 : memref<!tpu.dma_semaphore, #tpu.memory_space<semaphore_mem>>) src(%dma_wait3A_124 : memref<128x128xf32, #tpu.memory_space<vmem>>) dst(%dma_wait3A_120 : memref<128x128xf32, #tpu.memory_space<hbm>>)
    %add3A_125 = arith.constant 25088 : i32
    %add3A_126 = arith.addi %mul3A_4, %add3A_125 : i32
    %dma_wait3A_127 = arith.constant 1 : i32
    %dma_wait3A_128 = arith.constant 0 : i32
    %dma_wait3A_129 = arith.constant 0 : i32
    %dma_wait3A_130 = tpu.memref_slice %arg6[%dma_wait3A_127, %dma_wait3A_128, %dma_wait3A_129] : memref<5x128x128xf32, #tpu.memory_space<vmem>> -> memref<1x128x128xf32, #tpu.memory_space<vmem>>
    %dma_wait3A_131 = tpu.memref_squeeze %dma_wait3A_130 : memref<1x128x128xf32, #tpu.memory_space<vmem>> -> memref<128x128xf32, #tpu.memory_space<vmem>>
    %dma_wait3A_132 = arith.constant 0 : i32
    %dma_wait3A_133 = tpu.memref_slice %arg4[%add3A_126, %dma_wait3A_132] : memref<819200x128xf32, #tpu.memory_space<hbm>> -> memref<128x128xf32, #tpu.memory_space<hbm>>
    %dma_wait3A_134 = arith.constant 0 : i32
    %dma_wait3A_135 = tpu.memref_slice %arg4[%add3A_126, %dma_wait3A_134] : memref<819200x128xf32, #tpu.memory_space<hbm>> -> memref<128x128xf32, #tpu.memory_space<hbm>>
    %dma_wait3A_136 = arith.constant 0 : i32
    %dma_wait3A_137 = arith.constant 0 : i32
    %dma_wait3A_138 = tpu.memref_slice %arg6[%dma_wait3A_127, %dma_wait3A_136, %dma_wait3A_137] : memref<5x128x128xf32, #tpu.memory_space<vmem>> -> memref<1x128x128xf32, #tpu.memory_space<vmem>>
    %dma_wait3A_139 = tpu.memref_squeeze %dma_wait3A_138 : memref<1x128x128xf32, #tpu.memory_space<vmem>> -> memref<128x128xf32, #tpu.memory_space<vmem>>
    tpu.wait_dma2 semaphore(%arg13 : memref<!tpu.dma_semaphore, #tpu.memory_space<semaphore_mem>>) src(%dma_wait3A_139 : memref<128x128xf32, #tpu.memory_space<vmem>>) dst(%dma_wait3A_135 : memref<128x128xf32, #tpu.memory_space<hbm>>)
    %add3A_140 = arith.constant 25216 : i32
    %add3A_141 = arith.addi %mul3A_4, %add3A_140 : i32
    %dma_wait3A_142 = arith.constant 2 : i32
    %dma_wait3A_143 = arith.constant 0 : i32
    %dma_wait3A_144 = arith.constant 0 : i32
    %dma_wait3A_145 = tpu.memref_slice %arg6[%dma_wait3A_142, %dma_wait3A_143, %dma_wait3A_144] : memref<5x128x128xf32, #tpu.memory_space<vmem>> -> memref<1x128x128xf32, #tpu.memory_space<vmem>>
    %dma_wait3A_146 = tpu.memref_squeeze %dma_wait3A_145 : memref<1x128x128xf32, #tpu.memory_space<vmem>> -> memref<128x128xf32, #tpu.memory_space<vmem>>
    %dma_wait3A_147 = arith.constant 0 : i32
    %dma_wait3A_148 = tpu.memref_slice %arg4[%add3A_141, %dma_wait3A_147] : memref<819200x128xf32, #tpu.memory_space<hbm>> -> memref<128x128xf32, #tpu.memory_space<hbm>>
    %dma_wait3A_149 = arith.constant 0 : i32
    %dma_wait3A_150 = tpu.memref_slice %arg4[%add3A_141, %dma_wait3A_149] : memref<819200x128xf32, #tpu.memory_space<hbm>> -> memref<128x128xf32, #tpu.memory_space<hbm>>
    %dma_wait3A_151 = arith.constant 0 : i32
    %dma_wait3A_152 = arith.constant 0 : i32
    %dma_wait3A_153 = tpu.memref_slice %arg6[%dma_wait3A_142, %dma_wait3A_151, %dma_wait3A_152] : memref<5x128x128xf32, #tpu.memory_space<vmem>> -> memref<1x128x128xf32, #tpu.memory_space<vmem>>
    %dma_wait3A_154 = tpu.memref_squeeze %dma_wait3A_153 : memref<1x128x128xf32, #tpu.memory_space<vmem>> -> memref<128x128xf32, #tpu.memory_space<vmem>>
    tpu.wait_dma2 semaphore(%arg14 : memref<!tpu.dma_semaphore, #tpu.memory_space<semaphore_mem>>) src(%dma_wait3A_154 : memref<128x128xf32, #tpu.memory_space<vmem>>) dst(%dma_wait3A_150 : memref<128x128xf32, #tpu.memory_space<hbm>>)
    %add3A_155 = arith.constant 25344 : i32
    %add3A_156 = arith.addi %mul3A_4, %add3A_155 : i32
    %dma_wait3A_157 = arith.constant 3 : i32
    %dma_wait3A_158 = arith.constant 0 : i32
    %dma_wait3A_159 = arith.constant 0 : i32
    %dma_wait3A_160 = tpu.memref_slice %arg6[%dma_wait3A_157, %dma_wait3A_158, %dma_wait3A_159] : memref<5x128x128xf32, #tpu.memory_space<vmem>> -> memref<1x128x128xf32, #tpu.memory_space<vmem>>
    %dma_wait3A_161 = tpu.memref_squeeze %dma_wait3A_160 : memref<1x128x128xf32, #tpu.memory_space<vmem>> -> memref<128x128xf32, #tpu.memory_space<vmem>>
    %dma_wait3A_162 = arith.constant 0 : i32
    %dma_wait3A_163 = tpu.memref_slice %arg4[%add3A_156, %dma_wait3A_162] : memref<819200x128xf32, #tpu.memory_space<hbm>> -> memref<128x128xf32, #tpu.memory_space<hbm>>
    %dma_wait3A_164 = arith.constant 0 : i32
    %dma_wait3A_165 = tpu.memref_slice %arg4[%add3A_156, %dma_wait3A_164] : memref<819200x128xf32, #tpu.memory_space<hbm>> -> memref<128x128xf32, #tpu.memory_space<hbm>>
    %dma_wait3A_166 = arith.constant 0 : i32
    %dma_wait3A_167 = arith.constant 0 : i32
    %dma_wait3A_168 = tpu.memref_slice %arg6[%dma_wait3A_157, %dma_wait3A_166, %dma_wait3A_167] : memref<5x128x128xf32, #tpu.memory_space<vmem>> -> memref<1x128x128xf32, #tpu.memory_space<vmem>>
    %dma_wait3A_169 = tpu.memref_squeeze %dma_wait3A_168 : memref<1x128x128xf32, #tpu.memory_space<vmem>> -> memref<128x128xf32, #tpu.memory_space<vmem>>
    tpu.wait_dma2 semaphore(%arg15 : memref<!tpu.dma_semaphore, #tpu.memory_space<semaphore_mem>>) src(%dma_wait3A_169 : memref<128x128xf32, #tpu.memory_space<vmem>>) dst(%dma_wait3A_165 : memref<128x128xf32, #tpu.memory_space<hbm>>)
    %add3A_170 = arith.constant 25472 : i32
    %add3A_171 = arith.addi %mul3A_4, %add3A_170 : i32
    %dma_wait3A_172 = arith.constant 4 : i32
    %dma_wait3A_173 = arith.constant 0 : i32
    %dma_wait3A_174 = arith.constant 0 : i32
    %dma_wait3A_175 = tpu.memref_slice %arg6[%dma_wait3A_172, %dma_wait3A_173, %dma_wait3A_174] : memref<5x128x128xf32, #tpu.memory_space<vmem>> -> memref<1x128x128xf32, #tpu.memory_space<vmem>>
    %dma_wait3A_176 = tpu.memref_squeeze %dma_wait3A_175 : memref<1x128x128xf32, #tpu.memory_space<vmem>> -> memref<128x128xf32, #tpu.memory_space<vmem>>
    %dma_wait3A_177 = arith.constant 0 : i32
    %dma_wait3A_178 = tpu.memref_slice %arg4[%add3A_171, %dma_wait3A_177] : memref<819200x128xf32, #tpu.memory_space<hbm>> -> memref<128x128xf32, #tpu.memory_space<hbm>>
    %dma_wait3A_179 = arith.constant 0 : i32
    %dma_wait3A_180 = tpu.memref_slice %arg4[%add3A_171, %dma_wait3A_179] : memref<819200x128xf32, #tpu.memory_space<hbm>> -> memref<128x128xf32, #tpu.memory_space<hbm>>
    %dma_wait3A_181 = arith.constant 0 : i32
    %dma_wait3A_182 = arith.constant 0 : i32
    %dma_wait3A_183 = tpu.memref_slice %arg6[%dma_wait3A_172, %dma_wait3A_181, %dma_wait3A_182] : memref<5x128x128xf32, #tpu.memory_space<vmem>> -> memref<1x128x128xf32, #tpu.memory_space<vmem>>
    %dma_wait3A_184 = tpu.memref_squeeze %dma_wait3A_183 : memref<1x128x128xf32, #tpu.memory_space<vmem>> -> memref<128x128xf32, #tpu.memory_space<vmem>>
    tpu.wait_dma2 semaphore(%arg16 : memref<!tpu.dma_semaphore, #tpu.memory_space<semaphore_mem>>) src(%dma_wait3A_184 : memref<128x128xf32, #tpu.memory_space<vmem>>) dst(%dma_wait3A_180 : memref<128x128xf32, #tpu.memory_space<hbm>>)
    return
  }
}

</mosaic_0001>

<sc_bundles>
// kernel: _emb.3.cloned.1.call-start
scs
__scs_entry_jumppad:
0x0: {  	(pc) =	sbr.rel $0x88, $3  }
0x1: {  	(tag) =	ssettag $0x0;
	lr =	simm.s32 $0x1  }
0x2: {  	[smem:$0x3F9F] =	sst lr;
	_ =	strace $0xD0000000  }
0x3: {  	_ = 	snop  }
0x4: {  	_ = 	snop  }
0x5: {  	_ = 	snop  }
0x6: {  	_ = 	snop  }
0x7: {  	_ = 	snop  }
__scs_overlays_trampoline_lowered:
0x8: {  	[smem:$0x3FAE] =	sst s0  }
0x9: {  	[smem:$0x3FAF] =	sst s1  }
0xa: {  	[smem:$0x3FB0] =	sst s2  }
0xb: {  	[smem:$0x3FB1] =	sst s3  }
0xc: {  	[smem:$0x3FB2] =	sst s4  }
0xd: {  	[smem:$0x3FB3] =	sst s5  }
0xe: {  	[smem:$0x3FB4] =	sst s6  }
0xf: {  	[smem:$0x3FB5] =	sst s7  }
0x10: {  	[smem:$0x3FB6] =	sst s8  }
0x11: {  	[smem:$0x3FB7] =	sst s9;
	s0 =	simm.s32 @!p0 $0x0  }
0x12: {  	s1 =	sld [smem:$0x3F9D];
	s0 =	simm.s32 @p0 $0x1  }
0x13: {  	[smem:$0x3FB8] =	sst s0;
	s0 =	simm.s32 @!p1 $0x0  }
0x14: {  	s2 =	sld [smem:$0x3F9C];
	s0 =	simm.s32 @p1 $0x1  }
0x15: {  	[smem:$0x3FB9] =	sst s0;
	s0 =	simm.s32 @!p2 $0x0  }
0x16: {  	s3 =	sld [smem:$0x3FDB];
	s0 =	simm.s32 @p2 $0x1  }
0x17: {  	s4 =	simm.s32 $0x1BF5;
	[smem:$0x3FBB] =	sst s0  }
0x18: {  	s0 =	sld [smem:$0x3F9E];
	_ =	swait.ge [sflag:s4], $0x0  }
0x19: {  	s7 =	sld [smem:$0x3F9F]  }
0x1a: {  	s8 =	sadd.s32 $0xFFFFE003, lr  }
0x1b: {  	s9 =	sadd.s32 $0xFFFFFEF7, lr;
	s5 =	simm.s32 $0xFFFFFFFF;
	p2 =	slt.u32 s8, $0xFFFFF086  }
0x1c: {  	p1 =	slt.u32 s9, $0xF7A;
	s5 =	simm.s32 @!p2 $0x0  }
0x1d: {  	s5 =	simm.s32 @p1 $0x1;
	p0 =	seq.s32 s7, s2  }
0x1e: {  	s7 =	smul.u32 @!p0 $0xF7A, s2;
	p2 =	seq.s32 @!p0 s5, $0x0  }
0x1f: {  	s9 =	smul.u32 $0xF7A, s1;
	s8 =	simm.s32 @!p0 $0x1BF5;
	p2 =	por !p2, p0  }
0x20: {  	[sflag:s8] =	ssyncset.s32 @!p0 $0xFFFFF086;
	s6 =	sadd.s32 @!p0 s3, s7;
	s7 =	simm.s32 @!p0 $0x108  }
0x21: {  	s3 =	sadd.s32 s3, s9;
	s6 =	sadd.s32 @!p0 $0x88, s6;
	s7 =	simm.s32 @p2 $0x1082  }
0x22: {  	[simem:s7], [sflag:s8] =	dma.local @!p0 [hbm:s6], $0xF7A  }
0x23: {  	s9 =	sor.u32 $0xD0000000, s2;
	s6 =	simm.s32 $0x108;
	_ =	swait.ge @!p0 [sflag:s8], $0x0  }
0x24: {  	s3 =	sadd.s32 $0x88, s3;
	s6 =	simm.s32 @!p1 $0x1082;
	[sflag:s4] =	ssyncset.s32 $0xFFFFF086  }
0x25: {  	[simem:s6], [sflag:s4] =	dma.local [hbm:s3], $0xF7A  }
0x26: {  	[smem:$0x3F9F] =	sst s1;
	(tag) =	ssettag s2;
	_ =	strace s9  }
0x27: {  	s1 =	sld [smem:$0x3FAF]  }
0x28: {  	s2 =	sld [smem:$0x3FB0]  }
0x29: {  	s4 =	sld [smem:$0x3FB2]  }
0x2a: {  	p0 =	seq.s32 s5, $0x0;
	s5 =	sld [smem:$0x3FB3]  }
0x2b: {  	s6 =	sld [smem:$0x3FB4]  }
0x2c: {  	s7 =	sld [smem:$0x3FB5]  }
0x2d: {  	s3 =	simm.s32 $0x108;
	s8 =	sld [smem:$0x3FB6]  }
0x2e: {  	s3 =	simm.s32 @!p0 $0x1082;
	s9 =	sld [smem:$0x3FB7]  }
0x2f: {  	lr =	sadd.s32 s0, s3;
	s0 =	sld [smem:$0x3FAE]  }
0x30: {  	s3 =	sld [smem:$0x3FB1]  }
0x31: {  	[smem:$0x3FBA] =	sst s10  }
0x32: {  	s10 =	sld [smem:$0x3FB8];
	_ =	sdelay $0x3  }
0x33: {  	p0 =	seq.s32 s10, $0x1;
	s10 =	sld [smem:$0x3FBA];
	_ =	sdelay $0x3  }
0x34: {  	[smem:$0x3FBA] =	sst s10  }
0x35: {  	s10 =	sld [smem:$0x3FB9];
	_ =	sdelay $0x3  }
0x36: {  	p1 =	seq.s32 s10, $0x1;
	s10 =	sld [smem:$0x3FBA];
	_ =	sdelay $0x3  }
0x37: {  	[smem:$0x3FBA] =	sst s10  }
0x38: {  	s10 =	sld [smem:$0x3FBB]  }
0x39: {  	_ = 	snop;
	(pc) =	sbr.ind lr, $3  }
0x3a: {  	_ = 	snop  }
0x3b: {  	_ = 	snop  }
0x3c: {  	p2 =	seq.s32 s10, $0x1;
	s10 =	sld [smem:$0x3FBA]  }
0x3d: {  	_ =	shalt  }
0x3e: {  	_ =	shalt  }
0x3f: {  	_ =	shalt  }
0x40: {  	_ =	shalt  }
0x41: {  	_ =	shalt  }
0x42: {  	_ =	shalt  }
0x43: {  	_ =	shalt  }
0x44: {  	_ =	shalt  }
0x45: {  	_ =	shalt  }
0x46: {  	_ =	shalt  }
0x47: {  	_ =	shalt  }
0x48: {  	_ =	shalt  }
0x49: {  	_ =	shalt  }
0x4a: {  	_ =	shalt  }
0x4b: {  	_ =	shalt  }
0x4c: {  	_ =	shalt  }
0x4d: {  	_ =	shalt  }
0x4e: {  	_ =	shalt  }
0x4f: {  	_ =	shalt  }
0x50: {  	_ =	shalt  }
0x51: {  	_ =	shalt  }
0x52: {  	_ =	shalt  }
0x53: {  	_ =	shalt  }
0x54: {  	_ =	shalt  }
0x55: {  	_ =	shalt  }
0x56: {  	_ =	shalt  }
0x57: {  	_ =	shalt  }
0x58: {  	_ =	shalt  }
0x59: {  	_ =	shalt  }
0x5a: {  	_ =	shalt  }
0x5b: {  	_ =	shalt  }
0x5c: {  	_ =	shalt  }
0x5d: {  	_ =	shalt  }
0x5e: {  	_ =	shalt  }
0x5f: {  	_ =	shalt  }
0x60: {  	_ =	shalt  }
0x61: {  	_ =	shalt  }
0x62: {  	_ =	shalt  }
0x63: {  	_ =	shalt  }
0x64: {  	_ =	shalt  }
0x65: {  	_ =	shalt  }
0x66: {  	_ =	shalt  }
0x67: {  	_ =	shalt  }
0x68: {  	_ =	shalt  }
0x69: {  	_ =	shalt  }
0x6a: {  	_ =	shalt  }
0x6b: {  	_ =	shalt  }
0x6c: {  	_ =	shalt  }
0x6d: {  	_ =	shalt  }
0x6e: {  	_ =	shalt  }
0x6f: {  	_ =	shalt  }
0x70: {  	_ =	shalt  }
0x71: {  	_ =	shalt  }
0x72: {  	_ =	shalt  }
0x73: {  	_ =	shalt  }
0x74: {  	_ =	shalt  }
0x75: {  	_ =	shalt  }
0x76: {  	_ =	shalt  }
0x77: {  	_ =	shalt  }
0x78: {  	_ =	shalt  }
0x79: {  	_ =	shalt  }
0x7a: {  	_ =	shalt  }
0x7b: {  	_ =	shalt  }
0x7c: {  	_ =	shalt  }
0x7d: {  	_ =	shalt  }
0x7e: {  	_ =	shalt  }
0x7f: {  	_ =	shalt  }
0x80: {  	_ =	shalt  }
0x81: {  	_ =	shalt  }
0x82: {  	_ =	shalt  }
0x83: {  	_ =	shalt  }
0x84: {  	_ =	shalt  }
0x85: {  	_ =	shalt  }
0x86: {  	_ =	shalt  }
0x87: {  	_ =	shalt  }
.Lfunc_end0:
.L_simem_size_0:
called_computation_lowered:
.L_overlay_start_0:
0x88: {  	s2 =	sld [smem:$0x3FD9]  }
0x89: {  	s3 =	sld [smem:$0x3FFE];
	_ =	sdelay $0x1  }
0x8a: {  	s1 =	srdreg.scid  }
0x8b: {  	s0 =	sand.u32 $0x1, s1  }
0x8c: {  	s18 =	sshll.u32 s0, $0xA;
	s2 =	sadd.s32 s3, s2  }
0x8d: {  	s2 =	sadd.s32 s2, s18  }
0x8e: {  	[smem:$0x3FC6] =	sst s2  }
0x8f: {  	_ = 	snop  }
0x90: {  	s2 =	sld [smem:$0x3FC9]  }
0x91: {  	s19 =	sld [smem:$0x3FC8]  }
0x92: {  	s4 =	sld [smem:$0x3FD0];
	(tm) =	ssettm $0x1  }
0x93: {  	s5 =	sld [smem:$0x3FFB];
	_ =	sdelay $0x3  }
0x94: {  	_ =	strace s5  }
0x95: {  	s5 =	sld [smem:$0x3FFC];
	_ =	sdelay $0x3  }
0x96: {  	_ =	strace s5  }
0x97: {  	s5 =	sld [smem:$0x3FFD];
	_ =	sdelay $0x3  }
0x98: {  	_ =	strace s5  }
0x99: {  	_ =	strace $0x8FFFFFFF  }
0x9a: {  	s20 =	sld [smem:$0x3FDB];
	_ =	sdelay $0x1  }
0x9b: {  	s6 =	simm.s32 $_scs_section_size  }
0x9c: {  	s7 =	simm.s32 $_size__tile_overlayer_lowered;
	s8 =	simm.s32 $_tile_overlayer_lowered  }
0x9d: {  	s23 =	simm.s32 $0x1BFF;
	s22 =	sshll.u32 s8, $0x1;
	s5 =	sadd.s32 s6, s20  }
0x9e: {  	s9 =	simm.s32 $0x0;
	s21 =	sshll.u32 s7, $0x1;
	s7 =	sadd.s32 s22, s5  }
0x9f: {  	[timem:s9], [sflag:s23] =	dma.local [hbm:s7], s21  }
0xa0: {  	_ =	swait.ge [sflag:s23], s21  }
0xa1: {  	s6 =	ssub.s32 $0x0, s21;
	[sflag:s23] =	ssyncset.done $0x0  }
0xa2: {  	[sflag:s23] =	ssyncadd.s32 s6;
	_ =	sdelay $0x1  }
0xa3: {  	s24 =	simm.s32 $0x1B8B  }
0xa4: {  	_ =	swait.ge [sflag:s24], $0x1  }
0xa5: {  	[sflag:s24] =	ssyncset.done $0x0  }
0xa6: {  	s25 =	simm.s32 $0x1B8E;
	[sflag:s24] =	ssyncadd.s32 $0xFFFFFFFF  }
0xa7: {  	s26 =	simm.s32 $execute0_lowered;
	[smem:$0x3FD2] =	sst s25  }
0xa8: {  	s6 =	sshll.u32 s26, $0x1;
	_ =	strace $0x80000046;
	[dreg:$0x1] =	wrdreg $0xFFFFFFFF  }
0xa9: {  	s28 =	simm.s32 $_size_execute0_lowered;
	s5 =	sadd.s32 s5, s6;
	[dreg:$0x0] =	wrdreg $0x0  }
0xaa: {  	s6 =	sshll.u32 s28, $0x1;
	[dreg:$0x2] =	wrdreg s5  }
0xab: {  	[dreg:$0x3] =	wrdreg s6  }
0xac: {  	[dreg:$0x4] =	wrdreg $0xC0  }
0xad: {  	_ =	task [dreg:s9], $0x5FFFF  }
0xae: {  	[dreg:$0x1] =	wrdreg $0xFFFFFFFF  }
0xaf: {  	[dreg:$0x0] =	wrdreg $0x60  }
0xb0: {  	[dreg:$0x2] =	wrdreg s2  }
0xb1: {  	[dreg:$0x3] =	wrdreg s19  }
0xb2: {  	[dreg:$0x4] =	wrdreg s4  }
0xb3: {  	[dreg:$0x5] =	wrdreg $0x9  }
0xb4: {  	_ =	task.clear_ibuf [dreg:s9], $0x6FFFF;
	_ =	strace $0x90000046  }
0xb5: {  	s29 =	simm.s32 $0x9;
	_ =	strace $0x80000048  }
0xb6: {  	_ =	swait.ge [sflag:s29], $0x1  }
0xb7: {  	[sflag:s29] =	ssyncadd.s32 $0xFFFFFFFF  }
0xb8: {  	_ =	strace $0x90000048  }
0xb9: {  	_ =	sfence  }
0xba: {  	s30 =	sld [smem:$0x0];
	_ =	sdelay $0x2  }
0xbb: {  	s31 =	sshll.u32 s1, $0xD;
	s1 =	sshrl.u32 s1, $0x2  }
0xbc: {  	s3 =	sand.u32 $0x4000, s31;
	s1 =	sadd.s32 s1, s30  }
0xbd: {  	s0 =	sor.u32 s3, s0;
	s1 =	sshll.u32 s1, $0x11  }
0xbe: {  	s0 =	sor.u32 s1, s0  }
0xbf: {  	s0 =	sadd.s32 $0x8F2B, s0  }
0xc0: {  	[sflag:s0] =	ssyncadd.remote.s32 $0x1  }
0xc1: {  	_ =	sfence.sel $0xFFFF  }
0xc2: {  	[dreg:$0x0] =	wrdreg $0xFFFFFFFF;
	(pc) =	sbr.abs _section_cstart, $3  }
0xc3: {  	[dreg:$0x1] =	wrdreg $0xFFFFFFFF  }
0xc4: {  	_ =	task.clear_ibuf [dreg:s9], $0x2FFFF;
	_ =	strace $0x9FFFFFFF  }
0xc5: {  	(tm) =	ssettm $0x7FFFFFFF  }
tec
execute0_lowered:
.L_overlay_start_1:
0x0: {  	(tag) =	ssettag $0x1  }
0x1: {  	s1 =	rddreg [dreg:$0x0]  }
0x2: {  	s5 =	rddreg [dreg:$0x1];
	s2 =	srdreg.scid  }
0x3: {  	s0 =	stileid.u32;
	s11 =	rddreg [dreg:$0x2];
	s15 =	simm.s32 $0x1  }
0x4: {  	s16 =	simm.s32 $0xA400;
	s17 =	simm.s32 $0xE400;
	s18 =	simm.s32 $0x12400  }
0x5: {  	s19 =	simm.s32 $0x16400;
	s20 =	simm.s32 $0x2;
	s21 =	simm.s32 $0x3  }
0x6: {  	s22 =	simm.s32 $0x4;
	s23 =	simm.s32 $0x5;
	s24 =	simm.s32 $0x6  }
0x7: {  	s25 =	simm.s32 $0x0;
	s9 =	sand.u32 $0x1, s2;
	s3 =	sshll.u32 s0, $0x1  }
0x8: {  	s2 =	rddreg [dreg:$0x3];
	s13 =	smul.u32 $0xC8000, s0;
	s4 =	sor.u32 s9, s3  }
0x9: {  	s3 =	simm.s32 $0x0;
	s6 =	ssub.s32 $0x2, s9;
	s7 =	smul.u32 $0x64000, s4  }
0xa: {  	[smem:$0x7FF] =	sst s3;
	s8 =	sshrl.u32 s6, $0x1;
	s10 =	smul.u32 $0xC80, s4  }
0xb: {  	s14 =	smul.u32 $0x64000, s9;
	_ =	strace $0x80000047;
	s12 =	ssub.s32 s6, s8  }
0xc: {  	s4 =	sadd.s32 s11, s7;
	s5 =	sadd.s32 s5, s10;
	s10 =	smax.u32 s12, $0x1  }
0xd: {  	s11 =	sadd.s32 s13, s11;
	s12 =	simm.s32 $0x7;
	s13 =	simm.s32 $0x80  }
0xe: {  	s6 =	sadd.s32 $0x800, s4;
	s7 =	sadd.s32 $0x1000, s4;
	s8 =	sadd.s32 $0x1800, s4  }
0xf: {  	s9 =	sadd.s32 $0x2000, s4;
	s11 =	sadd.s32 s14, s11;
	s14 =	simm.s32 $0x6400  }
.LBB2_1:
0x10: {  	[tilespmem:s3], [sflag:$0x7] =	stream.linear.gather [hbm4b:s5+s3], $0x6400, $0x38;
	[tilespmem:$0x1A400] =	vst v63  }
0x11: {  	_ =	swait.ge [sflag:s12], $0x6400  }
0x12: {  	[sflag:s12] =	ssyncset.done $0x0  }
0x13: {  	[sflag:s12] =	ssyncadd.s32 $0xFFFF9C00  }
0x14: {  	[tilespmem:s14], [sflag:$0x1] =	stream.indirect.gather [hbm4b:s1+s13], $0x80, s3, s13, $0xb8;
	[tilespmem:$0x1A400] =	vst v63  }
0x15: {  	_ =	swait.ge [sflag:s15], $0x4000  }
0x16: {  	[sflag:s15] =	ssyncset.done $0x0  }
0x17: {  	[sflag:s15] =	ssyncadd.s32 $0xFFFFC000  }
0x18: {  	[hbm4b:s4+s3] =	stream.linear.scatter [tilespmem:s14], [sflag:$0x2], $0x4000, $0x38;
	[tilespmem:$0x1A400] =	vst v63  }
0x19: {  	_ = 	snop  }
0x1a: {  	[hbm4b:s6+s3] =	stream.linear.scatter [tilespmem:s16], [sflag:$0x3], $0x4000, $0x38;
	[tilespmem:$0x1A400] =	vst v63  }
0x1b: {  	_ = 	snop  }
0x1c: {  	[hbm4b:s7+s3] =	stream.linear.scatter [tilespmem:s17], [sflag:$0x4], $0x4000, $0x38;
	[tilespmem:$0x1A400] =	vst v63  }
0x1d: {  	_ = 	snop  }
0x1e: {  	[hbm4b:s8+s3] =	stream.linear.scatter [tilespmem:s18], [sflag:$0x5], $0x4000, $0x38;
	[tilespmem:$0x1A400] =	vst v63  }
0x1f: {  	_ = 	snop  }
0x20: {  	[hbm4b:s9+s3] =	stream.linear.scatter [tilespmem:s19], [sflag:$0x6], $0x4000, $0x38;
	[tilespmem:$0x1A400] =	vst v63  }
0x21: {  	_ =	swait.ge [sflag:s20], $0x4000  }
0x22: {  	s28 =	sadd.s32 $0x0, s11;
	[sflag:s20] =	ssyncset.done $0x0  }
0x23: {  	s26 =	sadd.s32 $0x2800, s28;
	[sflag:s20] =	ssyncadd.s32 $0xFFFFC000  }
0x24: {  	[hbm4b:s26+s3] =	stream.linear.scatter [tilespmem:s14], [sflag:$0x2], $0x4000, $0x38;
	[tilespmem:$0x1A400] =	vst v63  }
0x25: {  	_ =	swait.ge [sflag:s21], $0x4000  }
0x26: {  	[sflag:s21] =	ssyncset.done $0x0  }
0x27: {  	s29 =	sadd.s32 $0x3000, s28;
	[sflag:s21] =	ssyncadd.s32 $0xFFFFC000  }
0x28: {  	[hbm4b:s29+s3] =	stream.linear.scatter [tilespmem:s16], [sflag:$0x3], $0x4000, $0x38;
	[tilespmem:$0x1A400] =	vst v63  }
0x29: {  	_ =	swait.ge [sflag:s22], $0x4000  }
0x2a: {  	[sflag:s22] =	ssyncset.done $0x0  }
0x2b: {  	s30 =	sadd.s32 $0x3800, s28;
	[sflag:s22] =	ssyncadd.s32 $0xFFFFC000  }
0x2c: {  	[hbm4b:s30+s3] =	stream.linear.scatter [tilespmem:s17], [sflag:$0x4], $0x4000, $0x38;
	[tilespmem:$0x1A400] =	vst v63  }
0x2d: {  	_ =	swait.ge [sflag:s23], $0x4000  }
0x2e: {  	[sflag:s23] =	ssyncset.done $0x0  }
0x2f: {  	s31 =	sadd.s32 $0x4000, s28;
	[sflag:s23] =	ssyncadd.s32 $0xFFFFC000  }
0x30: {  	[hbm4b:s31+s3] =	stream.linear.scatter [tilespmem:s18], [sflag:$0x5], $0x4000, $0x38;
	[tilespmem:$0x1A400] =	vst v63  }
0x31: {  	_ =	swait.ge [sflag:s24], $0x4000  }
0x32: {  	[sflag:s24] =	ssyncset.done $0x0  }
0x33: {  	s28 =	sadd.s32 $0x4800, s28;
	s26 =	simm.s32 $0x2800;
	[sflag:s24] =	ssyncadd.s32 $0xFFFFC000  }
.LBB2_2:
0x34: {  	[hbm4b:s28+s3] =	stream.linear.scatter [tilespmem:s19], [sflag:$0x6], $0x4000, $0x38;
	[tilespmem:$0x1A400] =	vst v63  }
0x35: {  	s28 =	smov.u32 s26  }
0x36: {  	p0 =	sne.s32 s26, $0x5F000;
	s26 =	sadd.s32 $0x2800, s26;
	_ =	swait.ge [sflag:s20], $0x4000  }
0x37: {  	s28 =	sadd.s32 s28, s11;
	[sflag:s20] =	ssyncset.done $0x0  }
0x38: {  	s29 =	sadd.s32 $0x2800, s28;
	[sflag:s20] =	ssyncadd.s32 $0xFFFFC000  }
0x39: {  	[hbm4b:s29+s3] =	stream.linear.scatter [tilespmem:s14], [sflag:$0x2], $0x4000, $0x38;
	[tilespmem:$0x1A400] =	vst v63  }
0x3a: {  	_ =	swait.ge [sflag:s21], $0x4000  }
0x3b: {  	[sflag:s21] =	ssyncset.done $0x0  }
0x3c: {  	s29 =	sadd.s32 $0x3000, s28;
	[sflag:s21] =	ssyncadd.s32 $0xFFFFC000  }
0x3d: {  	[hbm4b:s29+s3] =	stream.linear.scatter [tilespmem:s16], [sflag:$0x3], $0x4000, $0x38;
	[tilespmem:$0x1A400] =	vst v63  }
0x3e: {  	_ =	swait.ge [sflag:s22], $0x4000  }
0x3f: {  	[sflag:s22] =	ssyncset.done $0x0  }
0x40: {  	s29 =	sadd.s32 $0x3800, s28;
	[sflag:s22] =	ssyncadd.s32 $0xFFFFC000  }
0x41: {  	[hbm4b:s29+s3] =	stream.linear.scatter [tilespmem:s17], [sflag:$0x4], $0x4000, $0x38;
	[tilespmem:$0x1A400] =	vst v63  }
0x42: {  	_ =	swait.ge [sflag:s23], $0x4000  }
0x43: {  	[sflag:s23] =	ssyncset.done $0x0  }
.Ltmp0:
0x44: {  	s29 =	sadd.s32 $0x4000, s28;
	[sflag:s23] =	ssyncadd.s32 $0xFFFFC000;
	(pc) =	sbr.rel @p0 .LBB2_2-.Ltmp0, $4  }
0x45: {  	[hbm4b:s29+s3] =	stream.linear.scatter [tilespmem:s18], [sflag:$0x5], $0x4000, $0x38;
	[tilespmem:$0x1A400] =	vst v63  }
0x46: {  	_ =	swait.ge [sflag:s24], $0x4000  }
0x47: {  	[sflag:s24] =	ssyncset.done $0x0  }
0x48: {  	s28 =	sadd.s32 $0x4800, s28;
	[sflag:s24] =	ssyncadd.s32 $0xFFFFC000  }
0x49: {  	[hbm4b:s28+s3] =	stream.linear.scatter [tilespmem:s19], [sflag:$0x6], $0x4000, $0x38;
	[tilespmem:$0x1A400] =	vst v63  }
0x4a: {  	_ =	swait.ge [sflag:s20], $0x4000  }
0x4b: {  	[sflag:s20] =	ssyncset.done $0x0  }
0x4c: {  	[sflag:s20] =	ssyncadd.s32 $0xFFFFC000  }
0x4d: {  	_ =	swait.ge [sflag:s21], $0x4000  }
0x4e: {  	[sflag:s21] =	ssyncset.done $0x0  }
0x4f: {  	[sflag:s21] =	ssyncadd.s32 $0xFFFFC000  }
0x50: {  	_ =	swait.ge [sflag:s22], $0x4000  }
0x51: {  	[sflag:s22] =	ssyncset.done $0x0  }
0x52: {  	s25 =	sadd.s32 $0x1, s25;
	[sflag:s22] =	ssyncadd.s32 $0xFFFFC000  }
0x53: {  	p0 =	sne.s32 s25, s10;
	_ =	swait.ge [sflag:s23], $0x4000  }
.Ltmp1:
0x54: {  	[sflag:s23] =	ssyncset.done $0x0;
	(pc) =	sbr.rel @p0 .LBB2_1-.Ltmp1, $4  }
0x55: {  	[sflag:s23] =	ssyncadd.s32 $0xFFFFC000  }
0x56: {  	_ =	swait.ge [sflag:s24], $0x4000  }
0x57: {  	[sflag:s24] =	ssyncset.done $0x0  }
0x58: {  	[sflag:s24] =	ssyncadd.s32 $0xFFFFC000  }
0x59: {  	_ =	sfence.sel $0x180000  }
0x5a: {  	[bflag:$0x0] =	sbarrier.arrive $0xFFFF  }
0x5b: {  	p0 =	sne.s32 s0, $0x0;
	_ =	strace $0x90000047  }
0x5c: {  	s0 =	sadd.s32 @!p0 $0x100000, s2;
	[bflag:$0x2] =	sbarrier.arrive $0xFFFF  }
0x5d: {  	[sflag:s0] =	ssyncadd.tile.s32 @!p0 $0x1;
	_ =	shalt  }
.Lfunc_end2:
_tile_overlayer_lowered:
.L_overlay_start_2:
0x5e: {  	(tag) =	ssettag $0x2  }
0x5f: {  	s0 =	rddreg [dreg:$0x0];
	s2 =	stileid.u32  }
0x60: {  	s1 =	rddreg [dreg:$0x1];
	p0 =	sne.s32 s2, $0x0  }
0x61: {  	s3 =	rddreg [dreg:$0x2];
	[bflag:$0x3] =	sbarrier.arrive $0xFFFF;
	s2 =	simm.s32 @!p0 $0x1C07  }
0x62: {  	[timem:s3], [sflag:s2] =	dma.local @!p0 [hbm:s0], s1  }
0x63: {  	s0 =	simm.s32 @!p0 $0x7  }
0x64: {  	_ =	swait.ge @!p0 [sflag:s0], s1  }
0x65: {  	s1 =	ssub.s32 @!p0 $0x0, s1;
	[sflag:s0] =	ssyncset.done @!p0 $0x0  }
0x66: {  	[sflag:s0] =	ssyncadd.s32 @!p0 s1  }
0x67: {  	[bflag:$0x3] =	sbarrier.arrive $0xFFFF  }
0x68: {  	_ =	shalt  }

</sc_bundles>
